<compile_context>
chip_gen: v7x
topology: tpu7x:2x2x1
jax: 0.10.2.dev20260603
libtpu: 0.0.44.dev20260713+nightly
codegen_flags: <defaults>
</compile_context>

<pallas_src>
import functools

import jax
import jax.numpy as jnp
from jax import lax
from jax.experimental import pallas as pl
from jax.experimental.pallas import tpu as pltpu
from jax.experimental.pallas import tpu_sc as plsc

N_NODES = 100000
N_SPECIES = 119
TAB_PAD = 128

NUM_CORES = 1
NUM_SUBCORES = 16
NW = NUM_CORES * NUM_SUBCORES

CHUNK = 6272
LAST = N_NODES - (NW - 1) * CHUNK


@functools.partial(
    pl.kernel,
    out_type=jax.ShapeDtypeStruct((N_NODES,), jnp.int32),
    mesh=plsc.VectorSubcoreMesh(core_axis_name="c", subcore_axis_name="s", num_cores=1),
    scratch_types=[
        pltpu.VMEM((TAB_PAD,), jnp.int32),
        pltpu.VMEM((TAB_PAD,), jnp.int32),
        pltpu.VMEM_SHARED((TAB_PAD,), jnp.int32),
        pltpu.VMEM((CHUNK,), jnp.int32),
        pltpu.VMEM((CHUNK,), jnp.int32),
        pltpu.SemaphoreType.DMA,
        pltpu.SemaphoreType.DMA,
        pltpu.SemaphoreType.DMA,
    ],
)
def _species_lookup(
    a_hbm, tab_hbm, out_hbm, tab_v, jidx_v, inv_sh, in_v, res_v, sem, sem2, sem3
):
    c = lax.axis_index("c")
    s = lax.axis_index("s")
    wid = s * NUM_CORES + c

    @pl.when(s == 0)
    def _():
        cp = pltpu.async_copy(
            a_hbm.at[pl.ds(wid * CHUNK, CHUNK)], in_v.at[pl.ds(0, CHUNK)], sem
        )
        pltpu.sync_copy(tab_hbm, tab_v.at[pl.ds(0, N_SPECIES)])
        lane = lax.iota(jnp.int32, 16)
        tail_base = (TAB_PAD // 16 - 1) * 16
        tail = tab_v[pl.ds(tail_base, 16)]
        tail_lane = lane + tail_base
        tab_v[pl.ds(tail_base, 16)] = jnp.where(
            tail_lane < N_SPECIES, tail, tail_lane
        )
        for j in range(TAB_PAD // 16):
            jidx_v[pl.ds(j * 16, 16)] = lane + (j * 16)
        pltpu.sync_copy(jidx_v, inv_sh.at[tab_v])
        cp.wait()

    @pl.when((s != 0) & (wid < NW - 1))
    def _():
        pltpu.sync_copy(
            a_hbm.at[pl.ds(wid * CHUNK, CHUNK)], in_v.at[pl.ds(0, CHUNK)]
        )

    @pl.when(wid == NW - 1)
    def _():
        pltpu.sync_copy(
            a_hbm.at[pl.ds((NW - 1) * CHUNK, LAST)], in_v.at[pl.ds(0, LAST)]
        )

    plsc.subcore_barrier()

    def translate(base, nelem):
        h = nelem // 2
        g0 = pltpu.async_copy(
            inv_sh.at[in_v.at[pl.ds(0, h)]], res_v.at[pl.ds(0, h)], sem
        )
        g1 = pltpu.async_copy(
            inv_sh.at[in_v.at[pl.ds(h, nelem - h)]],
            res_v.at[pl.ds(h, nelem - h)],
            sem2,
        )
        g0.wait()
        o0 = pltpu.async_copy(
            res_v.at[pl.ds(0, h)], out_hbm.at[pl.ds(base, h)], sem3
        )
        g1.wait()
        pltpu.sync_copy(
            res_v.at[pl.ds(h, nelem - h)], out_hbm.at[pl.ds(base + h, nelem - h)]
        )
        o0.wait()

    @pl.when(wid < NW - 1)
    def _():
        translate(wid * CHUNK, CHUNK)

    @pl.when(wid == NW - 1)
    def _():
        translate((NW - 1) * CHUNK, LAST)


def kernel(atomic_numbers_in, species_table):
    a = atomic_numbers_in.astype(jnp.int32)
    tab = species_table.astype(jnp.int32)
    return _species_lookup(a, tab)

# --- scband reference (transcript-rebuilt; emitter-appended) ---
"""Pipeline reference for scband-species-transform-30374008717898 (READ-ONLY COPY).

The authoritative reference and input builder live on the scoring server;
editing this copy changes nothing except your own understanding.
"""

import jax, jax.numpy as jnp
import numpy as np

N_NODES = 100000
NUM_SPECIES = 119


def setup_inputs(seed: int = 0) -> dict:
    key = jax.random.key(seed)
    # per-node atomic numbers (values in [0, NUM_SPECIES) so every lookup hits the table)
    atomic_numbers_in = jax.random.randint(key, (N_NODES,), 0, NUM_SPECIES)
    # ordered species list held by the module (init arg `atomic_numbers`)
    species_table = jnp.arange(NUM_SPECIES, dtype=atomic_numbers_in.dtype)
    return {"atomic_numbers_in": atomic_numbers_in, "species_table": species_table}


def reference(atomic_numbers_in, species_table):
    # Faithful translation of SpeciesTransform.__call__:
    #   vwhere = jax.vmap(lambda num: jnp.argwhere(num == self.atomic_numbers, size=1)[0])
    #   nodes[out_field] = vwhere(nodes[field])[:, 0]
    vwhere = jax.vmap(lambda num: jnp.argwhere(num == species_table, size=1)[0])
    species = vwhere(atomic_numbers_in)[:, 0]
    return species

if __name__ == "__main__":
    import jax
    _d = setup_inputs()
    print(jax.jit(kernel)(*tuple(_d.values())))

</pallas_src>

<mosaic_0001>
#map = affine_map<(d0, d1) -> (0)>
module attributes {stable_mosaic.version = 14 : i64} {
  func.func @_species_lookup(%arg0: i32, %arg1: i32, %arg2: memref<100000xi32, #tpu.memory_space<hbm>>, %arg3: memref<119xi32, #tpu.memory_space<hbm>>, %arg4: memref<100000xi32, #tpu.memory_space<hbm>>, %arg5: memref<128xi32, #tpu.memory_space<vmem>>, %arg6: memref<128xi32, #tpu.memory_space<vmem>>, %arg7: memref<128xi32, #tpu.memory_space<vmem_shared>>, %arg8: memref<6272xi32, #tpu.memory_space<vmem>>, %arg9: memref<6272xi32, #tpu.memory_space<vmem>>, %arg10: memref<!tpu.dma_semaphore, #tpu.memory_space<semaphore_mem>>, %arg11: memref<!tpu.dma_semaphore, #tpu.memory_space<semaphore_mem>>, %arg12: memref<!tpu.dma_semaphore, #tpu.memory_space<semaphore_mem>>) attributes {dimension_semantics = [#tpu.dimension_semantics<core_parallel>, #tpu.dimension_semantics<subcore_parallel>], iteration_bounds = array<i64: 1, 16>, scalar_prefetch = 0 : i64, scratch_operands = 8 : i64, tpu.core_type = #tpu.core_type<sc_vector_subcore>, window_params = [{transform_indices = #map}, {transform_indices = #map}, {transform_indices = #map}]} {
    %mul3A = arith.constant 1 : i32
    %mul3A_0 = arith.muli %arg1, %mul3A : i32
    %add3A = arith.addi %mul3A_0, %arg0 : i32
    %eq3A = arith.constant 0 : i32
    %eq3A_1 = arith.cmpi eq, %arg1, %eq3A : i32
    %convert_element_type3A = arith.extui %eq3A_1 : i1 to i32
    %cond3A = arith.constant 0 : i32
    %cond3A_2 = arith.cmpi ne, %convert_element_type3A, %cond3A : i32
    scf.if %cond3A_2 {
      %mul3A_23 = arith.constant 6272 : i32
      %mul3A_24 = arith.muli %add3A, %mul3A_23 : i32
      %dma_start3A = arith.constant 0 : i32
      %dma_start3A_25 = tpu.memref_slice %arg8[%dma_start3A] : memref<6272xi32, #tpu.memory_space<vmem>> -> memref<6272xi32, #tpu.memory_space<vmem>>
      %dma_start3A_26 = tpu.memref_slice %arg2[%mul3A_24] : memref<100000xi32, #tpu.memory_space<hbm>> -> memref<6272xi32, #tpu.memory_space<hbm>>
      %dma_start3A_27 = arith.constant 0 : i32
      %dma_start3A_28 = tpu.memref_slice %arg8[%dma_start3A_27] : memref<6272xi32, #tpu.memory_space<vmem>> -> memref<6272xi32, #tpu.memory_space<vmem>>
      %dma_start3A_29 = tpu.memref_slice %arg2[%mul3A_24] : memref<100000xi32, #tpu.memory_space<hbm>> -> memref<6272xi32, #tpu.memory_space<hbm>>
      tpu.enqueue_dma source(%dma_start3A_29 : memref<6272xi32, #tpu.memory_space<hbm>>) target(%dma_start3A_28 : memref<6272xi32, #tpu.memory_space<vmem>>) target_semaphore(%arg10 : memref<!tpu.dma_semaphore, #tpu.memory_space<semaphore_mem>>)
      "tpu.region"() ({
        %run_scoped3A = tpu.sem_alloc : memref<!tpu.dma_semaphore, #tpu.memory_space<semaphore_mem>>
        %dma_start3A_102 = arith.constant 0 : i32
        %dma_start3A_103 = tpu.memref_slice %arg5[%dma_start3A_102] : memref<128xi32, #tpu.memory_space<vmem>> -> memref<119xi32, #tpu.memory_space<vmem>>
        %dma_start3A_104 = arith.constant 0 : i32
        %dma_start3A_105 = tpu.memref_slice %arg5[%dma_start3A_104] : memref<128xi32, #tpu.memory_space<vmem>> -> memref<119xi32, #tpu.memory_space<vmem>>
        tpu.enqueue_dma source(%arg3 : memref<119xi32, #tpu.memory_space<hbm>>) target(%dma_start3A_105 : memref<119xi32, #tpu.memory_space<vmem>>) target_semaphore(%run_scoped3A : memref<!tpu.dma_semaphore, #tpu.memory_space<semaphore_mem>>)
        %dma_wait3A_106 = arith.constant 0 : i32
        %dma_wait3A_107 = tpu.memref_slice %arg5[%dma_wait3A_106] : memref<128xi32, #tpu.memory_space<vmem>> -> memref<119xi32, #tpu.memory_space<vmem>>
        %dma_wait3A_108 = arith.constant 0 : i32
        %dma_wait3A_109 = tpu.memref_slice %arg5[%dma_wait3A_108] : memref<128xi32, #tpu.memory_space<vmem>> -> memref<119xi32, #tpu.memory_space<vmem>>
        tpu.wait_dma2 semaphore(%run_scoped3A : memref<!tpu.dma_semaphore, #tpu.memory_space<semaphore_mem>>) src(%arg3 : memref<119xi32, #tpu.memory_space<hbm>>) dst(%dma_wait3A_109 : memref<119xi32, #tpu.memory_space<vmem>>)
        tpu.yield
      }) : () -> ()
      %iota3A = tpu.iota {dimensions = array<i32: 0>} : vector<16xi32>
      %get3A = arith.constant 112 : index
      %get3A_30 = tpu.vector_load %arg5[%get3A] {strides = array<i32>} : memref<128xi32, #tpu.memory_space<vmem>>, vector<16xi32>,
      %get3A_31 = vector.shape_cast %get3A_30 : vector<16xi32> to vector<16xi32>
      %add3A_32 = arith.constant 112 : i32
      %add3A_33 = vector.broadcast %add3A_32 : i32 to vector<16xi32>
      %add3A_34 = arith.addi %iota3A, %add3A_33 : vector<16xi32>
      %lt3A_35 = arith.constant 119 : i32
      %lt3A_36 = vector.broadcast %lt3A_35 : i32 to vector<16xi32>
      %lt3A_37 = arith.cmpi slt, %add3A_34, %lt3A_36 : vector<16xi32>
      %select_n3A = arith.select %lt3A_37, %get3A_31, %add3A_34 : vector<16xi1>, vector<16xi32>
      %swap3A = arith.constant 112 : index
      %swap3A_38 = tpu.vector_load %arg5[%swap3A] {strides = array<i32>} : memref<128xi32, #tpu.memory_space<vmem>>, vector<16xi32>,
      %swap3A_39 = vector.shape_cast %swap3A_38 : vector<16xi32> to vector<16xi32>
      %swap3A_40 = vector.shape_cast %select_n3A : vector<16xi32> to vector<16xi32>
      tpu.vector_store %arg5[%swap3A], %swap3A_40 {strides = array<i32>} : memref<128xi32, #tpu.memory_space<vmem>>, vector<16xi32>,
      %add3A_41 = arith.constant 0 : i32
      %add3A_42 = vector.broadcast %add3A_41 : i32 to vector<16xi32>
      %add3A_43 = arith.addi %iota3A, %add3A_42 : vector<16xi32>
      %swap3A_44 = arith.constant 0 : index
      %swap3A_45 = tpu.vector_load %arg6[%swap3A_44] {strides = array<i32>} : memref<128xi32, #tpu.memory_space<vmem>>, vector<16xi32>,
      %swap3A_46 = vector.shape_cast %swap3A_45 : vector<16xi32> to vector<16xi32>
      %swap3A_47 = vector.shape_cast %add3A_43 : vector<16xi32> to vector<16xi32>
      tpu.vector_store %arg6[%swap3A_44], %swap3A_47 {strides = array<i32>} : memref<128xi32, #tpu.memory_space<vmem>>, vector<16xi32>,
      %add3A_48 = arith.constant 16 : i32
      %add3A_49 = vector.broadcast %add3A_48 : i32 to vector<16xi32>
      %add3A_50 = arith.addi %iota3A, %add3A_49 : vector<16xi32>
      %swap3A_51 = arith.constant 16 : index
      %swap3A_52 = tpu.vector_load %arg6[%swap3A_51] {strides = array<i32>} : memref<128xi32, #tpu.memory_space<vmem>>, vector<16xi32>,
      %swap3A_53 = vector.shape_cast %swap3A_52 : vector<16xi32> to vector<16xi32>
      %swap3A_54 = vector.shape_cast %add3A_50 : vector<16xi32> to vector<16xi32>
      tpu.vector_store %arg6[%swap3A_51], %swap3A_54 {strides = array<i32>} : memref<128xi32, #tpu.memory_space<vmem>>, vector<16xi32>,
      %add3A_55 = arith.constant 32 : i32
      %add3A_56 = vector.broadcast %add3A_55 : i32 to vector<16xi32>
      %add3A_57 = arith.addi %iota3A, %add3A_56 : vector<16xi32>
      %swap3A_58 = arith.constant 32 : index
      %swap3A_59 = tpu.vector_load %arg6[%swap3A_58] {strides = array<i32>} : memref<128xi32, #tpu.memory_space<vmem>>, vector<16xi32>,
      %swap3A_60 = vector.shape_cast %swap3A_59 : vector<16xi32> to vector<16xi32>
      %swap3A_61 = vector.shape_cast %add3A_57 : vector<16xi32> to vector<16xi32>
      tpu.vector_store %arg6[%swap3A_58], %swap3A_61 {strides = array<i32>} : memref<128xi32, #tpu.memory_space<vmem>>, vector<16xi32>,
      %add3A_62 = arith.constant 48 : i32
      %add3A_63 = vector.broadcast %add3A_62 : i32 to vector<16xi32>
      %add3A_64 = arith.addi %iota3A, %add3A_63 : vector<16xi32>
      %swap3A_65 = arith.constant 48 : index
      %swap3A_66 = tpu.vector_load %arg6[%swap3A_65] {strides = array<i32>} : memref<128xi32, #tpu.memory_space<vmem>>, vector<16xi32>,
      %swap3A_67 = vector.shape_cast %swap3A_66 : vector<16xi32> to vector<16xi32>
      %swap3A_68 = vector.shape_cast %add3A_64 : vector<16xi32> to vector<16xi32>
      tpu.vector_store %arg6[%swap3A_65], %swap3A_68 {strides = array<i32>} : memref<128xi32, #tpu.memory_space<vmem>>, vector<16xi32>,
      %add3A_69 = arith.constant 64 : i32
      %add3A_70 = vector.broadcast %add3A_69 : i32 to vector<16xi32>
      %add3A_71 = arith.addi %iota3A, %add3A_70 : vector<16xi32>
      %swap3A_72 = arith.constant 64 : index
      %swap3A_73 = tpu.vector_load %arg6[%swap3A_72] {strides = array<i32>} : memref<128xi32, #tpu.memory_space<vmem>>, vector<16xi32>,
      %swap3A_74 = vector.shape_cast %swap3A_73 : vector<16xi32> to vector<16xi32>
      %swap3A_75 = vector.shape_cast %add3A_71 : vector<16xi32> to vector<16xi32>
      tpu.vector_store %arg6[%swap3A_72], %swap3A_75 {strides = array<i32>} : memref<128xi32, #tpu.memory_space<vmem>>, vector<16xi32>,
      %add3A_76 = arith.constant 80 : i32
      %add3A_77 = vector.broadcast %add3A_76 : i32 to vector<16xi32>
      %add3A_78 = arith.addi %iota3A, %add3A_77 : vector<16xi32>
      %swap3A_79 = arith.constant 80 : index
      %swap3A_80 = tpu.vector_load %arg6[%swap3A_79] {strides = array<i32>} : memref<128xi32, #tpu.memory_space<vmem>>, vector<16xi32>,
      %swap3A_81 = vector.shape_cast %swap3A_80 : vector<16xi32> to vector<16xi32>
      %swap3A_82 = vector.shape_cast %add3A_78 : vector<16xi32> to vector<16xi32>
      tpu.vector_store %arg6[%swap3A_79], %swap3A_82 {strides = array<i32>} : memref<128xi32, #tpu.memory_space<vmem>>, vector<16xi32>,
      %add3A_83 = arith.constant 96 : i32
      %add3A_84 = vector.broadcast %add3A_83 : i32 to vector<16xi32>
      %add3A_85 = arith.addi %iota3A, %add3A_84 : vector<16xi32>
      %swap3A_86 = arith.constant 96 : index
      %swap3A_87 = tpu.vector_load %arg6[%swap3A_86] {strides = array<i32>} : memref<128xi32, #tpu.memory_space<vmem>>, vector<16xi32>,
      %swap3A_88 = vector.shape_cast %swap3A_87 : vector<16xi32> to vector<16xi32>
      %swap3A_89 = vector.shape_cast %add3A_85 : vector<16xi32> to vector<16xi32>
      tpu.vector_store %arg6[%swap3A_86], %swap3A_89 {strides = array<i32>} : memref<128xi32, #tpu.memory_space<vmem>>, vector<16xi32>,
      %add3A_90 = arith.constant 112 : i32
      %add3A_91 = vector.broadcast %add3A_90 : i32 to vector<16xi32>
      %add3A_92 = arith.addi %iota3A, %add3A_91 : vector<16xi32>
      %swap3A_93 = arith.constant 112 : index
      %swap3A_94 = tpu.vector_load %arg6[%swap3A_93] {strides = array<i32>} : memref<128xi32, #tpu.memory_space<vmem>>, vector<16xi32>,
      %swap3A_95 = vector.shape_cast %swap3A_94 : vector<16xi32> to vector<16xi32>
      %swap3A_96 = vector.shape_cast %add3A_92 : vector<16xi32> to vector<16xi32>
      tpu.vector_store %arg6[%swap3A_93], %swap3A_96 {strides = array<i32>} : memref<128xi32, #tpu.memory_space<vmem>>, vector<16xi32>,
      "tpu.region"() ({
        %run_scoped3A = tpu.sem_alloc : memref<!tpu.dma_semaphore, #tpu.memory_space<semaphore_mem>>
        %dma_start3A_102 = arith.constant 0 : i32
        %dma_start3A_103 = tpu.memref_slice %arg7[%dma_start3A_102] : memref<128xi32, #tpu.memory_space<vmem_shared>> -> memref<128xi32, #tpu.memory_space<vmem_shared>>
        tpu.enqueue_indirect_dma source(%arg6 : memref<128xi32, #tpu.memory_space<vmem>>) target(%dma_start3A_103 : memref<128xi32, #tpu.memory_space<vmem_shared>>) offsets(%arg5 : memref<128xi32, #tpu.memory_space<vmem>>) semaphore(%run_scoped3A : memref<!tpu.dma_semaphore, #tpu.memory_space<semaphore_mem>>)
        %dma_wait3A_104 = arith.constant 0 : i32
        %dma_wait3A_105 = tpu.memref_slice %arg7[%dma_wait3A_104] : memref<128xi32, #tpu.memory_space<vmem_shared>> -> memref<128xi32, #tpu.memory_space<vmem_shared>>
        tpu.wait_indirect_dma semaphore(%run_scoped3A : memref<!tpu.dma_semaphore, #tpu.memory_space<semaphore_mem>>) src(%arg6 : memref<128xi32, #tpu.memory_space<vmem>>) dst(%dma_wait3A_105 : memref<128xi32, #tpu.memory_space<vmem_shared>>)
        tpu.yield
      }) : () -> ()
      %dma_wait3A = arith.constant 0 : i32
      %dma_wait3A_97 = tpu.memref_slice %arg8[%dma_wait3A] : memref<6272xi32, #tpu.memory_space<vmem>> -> memref<6272xi32, #tpu.memory_space<vmem>>
      %dma_wait3A_98 = tpu.memref_slice %arg2[%mul3A_24] : memref<100000xi32, #tpu.memory_space<hbm>> -> memref<6272xi32, #tpu.memory_space<hbm>>
      %dma_wait3A_99 = arith.constant 0 : i32
      %dma_wait3A_100 = tpu.memref_slice %arg8[%dma_wait3A_99] : memref<6272xi32, #tpu.memory_space<vmem>> -> memref<6272xi32, #tpu.memory_space<vmem>>
      %dma_wait3A_101 = tpu.memref_slice %arg2[%mul3A_24] : memref<100000xi32, #tpu.memory_space<hbm>> -> memref<6272xi32, #tpu.memory_space<hbm>>
      tpu.wait_dma2 semaphore(%arg10 : memref<!tpu.dma_semaphore, #tpu.memory_space<semaphore_mem>>) src(%dma_wait3A_101 : memref<6272xi32, #tpu.memory_space<hbm>>) dst(%dma_wait3A_100 : memref<6272xi32, #tpu.memory_space<vmem>>)
    } else {
    }
    %ne3A = arith.constant 0 : i32
    %ne3A_3 = arith.cmpi ne, %arg1, %ne3A : i32
    %lt3A = arith.constant 15 : i32
    %lt3A_4 = arith.cmpi slt, %add3A, %lt3A : i32
    %and3A = arith.andi %ne3A_3, %lt3A_4 : i1
    %convert_element_type3A_5 = arith.extui %and3A : i1 to i32
    %cond3A_6 = arith.constant 0 : i32
    %cond3A_7 = arith.cmpi ne, %convert_element_type3A_5, %cond3A_6 : i32
    scf.if %cond3A_7 {
      %mul3A_23 = arith.constant 6272 : i32
      %mul3A_24 = arith.muli %add3A, %mul3A_23 : i32
      "tpu.region"() ({
        %run_scoped3A = tpu.sem_alloc : memref<!tpu.dma_semaphore, #tpu.memory_space<semaphore_mem>>
        %dma_start3A = arith.constant 0 : i32
        %dma_start3A_25 = tpu.memref_slice %arg8[%dma_start3A] : memref<6272xi32, #tpu.memory_space<vmem>> -> memref<6272xi32, #tpu.memory_space<vmem>>
        %dma_start3A_26 = tpu.memref_slice %arg2[%mul3A_24] : memref<100000xi32, #tpu.memory_space<hbm>> -> memref<6272xi32, #tpu.memory_space<hbm>>
        %dma_start3A_27 = arith.constant 0 : i32
        %dma_start3A_28 = tpu.memref_slice %arg8[%dma_start3A_27] : memref<6272xi32, #tpu.memory_space<vmem>> -> memref<6272xi32, #tpu.memory_space<vmem>>
        %dma_start3A_29 = tpu.memref_slice %arg2[%mul3A_24] : memref<100000xi32, #tpu.memory_space<hbm>> -> memref<6272xi32, #tpu.memory_space<hbm>>
        tpu.enqueue_dma source(%dma_start3A_29 : memref<6272xi32, #tpu.memory_space<hbm>>) target(%dma_start3A_28 : memref<6272xi32, #tpu.memory_space<vmem>>) target_semaphore(%run_scoped3A : memref<!tpu.dma_semaphore, #tpu.memory_space<semaphore_mem>>)
        %dma_wait3A = arith.constant 0 : i32
        %dma_wait3A_30 = tpu.memref_slice %arg8[%dma_wait3A] : memref<6272xi32, #tpu.memory_space<vmem>> -> memref<6272xi32, #tpu.memory_space<vmem>>
        %dma_wait3A_31 = tpu.memref_slice %arg2[%mul3A_24] : memref<100000xi32, #tpu.memory_space<hbm>> -> memref<6272xi32, #tpu.memory_space<hbm>>
        %dma_wait3A_32 = arith.constant 0 : i32
        %dma_wait3A_33 = tpu.memref_slice %arg8[%dma_wait3A_32] : memref<6272xi32, #tpu.memory_space<vmem>> -> memref<6272xi32, #tpu.memory_space<vmem>>
        %dma_wait3A_34 = tpu.memref_slice %arg2[%mul3A_24] : memref<100000xi32, #tpu.memory_space<hbm>> -> memref<6272xi32, #tpu.memory_space<hbm>>
        tpu.wait_dma2 semaphore(%run_scoped3A : memref<!tpu.dma_semaphore, #tpu.memory_space<semaphore_mem>>) src(%dma_wait3A_34 : memref<6272xi32, #tpu.memory_space<hbm>>) dst(%dma_wait3A_33 : memref<6272xi32, #tpu.memory_space<vmem>>)
        tpu.yield
      }) : () -> ()
    } else {
    }
    %eq3A_8 = arith.constant 15 : i32
    %eq3A_9 = arith.cmpi eq, %add3A, %eq3A_8 : i32
    %convert_element_type3A_10 = arith.extui %eq3A_9 : i1 to i32
    %cond3A_11 = arith.constant 0 : i32
    %cond3A_12 = arith.cmpi ne, %convert_element_type3A_10, %cond3A_11 : i32
    scf.if %cond3A_12 {
      "tpu.region"() ({
        %run_scoped3A = tpu.sem_alloc : memref<!tpu.dma_semaphore, #tpu.memory_space<semaphore_mem>>
        %dma_start3A = arith.constant 0 : i32
        %dma_start3A_23 = tpu.memref_slice %arg8[%dma_start3A] : memref<6272xi32, #tpu.memory_space<vmem>> -> memref<5920xi32, #tpu.memory_space<vmem>>
        %dma_start3A_24 = arith.constant 94080 : i32
        %dma_start3A_25 = tpu.memref_slice %arg2[%dma_start3A_24] : memref<100000xi32, #tpu.memory_space<hbm>> -> memref<5920xi32, #tpu.memory_space<hbm>>
        %dma_start3A_26 = arith.constant 0 : i32
        %dma_start3A_27 = tpu.memref_slice %arg8[%dma_start3A_26] : memref<6272xi32, #tpu.memory_space<vmem>> -> memref<5920xi32, #tpu.memory_space<vmem>>
        %dma_start3A_28 = arith.constant 94080 : i32
        %dma_start3A_29 = tpu.memref_slice %arg2[%dma_start3A_28] : memref<100000xi32, #tpu.memory_space<hbm>> -> memref<5920xi32, #tpu.memory_space<hbm>>
        tpu.enqueue_dma source(%dma_start3A_29 : memref<5920xi32, #tpu.memory_space<hbm>>) target(%dma_start3A_27 : memref<5920xi32, #tpu.memory_space<vmem>>) target_semaphore(%run_scoped3A : memref<!tpu.dma_semaphore, #tpu.memory_space<semaphore_mem>>)
        %dma_wait3A = arith.constant 0 : i32
        %dma_wait3A_30 = tpu.memref_slice %arg8[%dma_wait3A] : memref<6272xi32, #tpu.memory_space<vmem>> -> memref<5920xi32, #tpu.memory_space<vmem>>
        %dma_wait3A_31 = arith.constant 94080 : i32
        %dma_wait3A_32 = tpu.memref_slice %arg2[%dma_wait3A_31] : memref<100000xi32, #tpu.memory_space<hbm>> -> memref<5920xi32, #tpu.memory_space<hbm>>
        %dma_wait3A_33 = arith.constant 0 : i32
        %dma_wait3A_34 = tpu.memref_slice %arg8[%dma_wait3A_33] : memref<6272xi32, #tpu.memory_space<vmem>> -> memref<5920xi32, #tpu.memory_space<vmem>>
        %dma_wait3A_35 = arith.constant 94080 : i32
        %dma_wait3A_36 = tpu.memref_slice %arg2[%dma_wait3A_35] : memref<100000xi32, #tpu.memory_space<hbm>> -> memref<5920xi32, #tpu.memory_space<hbm>>
        tpu.wait_dma2 semaphore(%run_scoped3A : memref<!tpu.dma_semaphore, #tpu.memory_space<semaphore_mem>>) src(%dma_wait3A_36 : memref<5920xi32, #tpu.memory_space<hbm>>) dst(%dma_wait3A_34 : memref<5920xi32, #tpu.memory_space<vmem>>)
        tpu.yield
      }) : () -> ()
    } else {
    }
    %barrier3A = arith.constant 0 : index
    tpu.barrier barrier_id(%barrier3A)
    %lt3A_13 = arith.constant 15 : i32
    %lt3A_14 = arith.cmpi slt, %add3A, %lt3A_13 : i32
    %convert_element_type3A_15 = arith.extui %lt3A_14 : i1 to i32
    %cond3A_16 = arith.constant 0 : i32
    %cond3A_17 = arith.cmpi ne, %convert_element_type3A_15, %cond3A_16 : i32
    scf.if %cond3A_17 {
      %mul3A_23 = arith.constant 6272 : i32
      %mul3A_24 = arith.muli %add3A, %mul3A_23 : i32
      %dma_start3A = arith.constant 0 : i32
      %dma_start3A_25 = tpu.memref_slice %arg9[%dma_start3A] : memref<6272xi32, #tpu.memory_space<vmem>> -> memref<3136xi32, #tpu.memory_space<vmem>>
      %dma_start3A_26 = arith.constant 0 : i32
      %dma_start3A_27 = tpu.memref_slice %arg8[%dma_start3A_26] : memref<6272xi32, #tpu.memory_space<vmem>> -> memref<3136xi32, #tpu.memory_space<vmem>>
      %dma_start3A_28 = arith.constant 0 : i32
      %dma_start3A_29 = tpu.memref_slice %arg7[%dma_start3A_28] : memref<128xi32, #tpu.memory_space<vmem_shared>> -> memref<128xi32, #tpu.memory_space<vmem_shared>>
      tpu.enqueue_indirect_dma source(%dma_start3A_29 : memref<128xi32, #tpu.memory_space<vmem_shared>>) target(%dma_start3A_25 : memref<3136xi32, #tpu.memory_space<vmem>>) offsets(%dma_start3A_27 : memref<3136xi32, #tpu.memory_space<vmem>>) semaphore(%arg10 : memref<!tpu.dma_semaphore, #tpu.memory_space<semaphore_mem>>)
      %dma_start3A_30 = arith.constant 3136 : i32
      %dma_start3A_31 = tpu.memref_slice %arg9[%dma_start3A_30] : memref<6272xi32, #tpu.memory_space<vmem>> -> memref<3136xi32, #tpu.memory_space<vmem>>
      %dma_start3A_32 = arith.constant 3136 : i32
      %dma_start3A_33 = tpu.memref_slice %arg8[%dma_start3A_32] : memref<6272xi32, #tpu.memory_space<vmem>> -> memref<3136xi32, #tpu.memory_space<vmem>>
      %dma_start3A_34 = arith.constant 0 : i32
      %dma_start3A_35 = tpu.memref_slice %arg7[%dma_start3A_34] : memref<128xi32, #tpu.memory_space<vmem_shared>> -> memref<128xi32, #tpu.memory_space<vmem_shared>>
      tpu.enqueue_indirect_dma source(%dma_start3A_35 : memref<128xi32, #tpu.memory_space<vmem_shared>>) target(%dma_start3A_31 : memref<3136xi32, #tpu.memory_space<vmem>>) offsets(%dma_start3A_33 : memref<3136xi32, #tpu.memory_space<vmem>>) semaphore(%arg11 : memref<!tpu.dma_semaphore, #tpu.memory_space<semaphore_mem>>)
      %dma_wait3A = arith.constant 0 : i32
      %dma_wait3A_36 = tpu.memref_slice %arg9[%dma_wait3A] : memref<6272xi32, #tpu.memory_space<vmem>> -> memref<3136xi32, #tpu.memory_space<vmem>>
      %dma_wait3A_37 = arith.constant 0 : i32
      %dma_wait3A_38 = tpu.memref_slice %arg8[%dma_wait3A_37] : memref<6272xi32, #tpu.memory_space<vmem>> -> memref<3136xi32, #tpu.memory_space<vmem>>
      %dma_wait3A_39 = arith.constant 0 : i32
      %dma_wait3A_40 = tpu.memref_slice %arg7[%dma_wait3A_39] : memref<128xi32, #tpu.memory_space<vmem_shared>> -> memref<128xi32, #tpu.memory_space<vmem_shared>>
      tpu.wait_indirect_dma semaphore(%arg10 : memref<!tpu.dma_semaphore, #tpu.memory_space<semaphore_mem>>) src(%dma_wait3A_40 : memref<128xi32, #tpu.memory_space<vmem_shared>>) dst(%dma_wait3A_36 : memref<3136xi32, #tpu.memory_space<vmem>>)
      %dma_start3A_41 = arith.constant 0 : i32
      %dma_start3A_42 = tpu.memref_slice %arg9[%dma_start3A_41] : memref<6272xi32, #tpu.memory_space<vmem>> -> memref<3136xi32, #tpu.memory_space<vmem>>
      %dma_start3A_43 = tpu.memref_slice %arg4[%mul3A_24] : memref<100000xi32, #tpu.memory_space<hbm>> -> memref<3136xi32, #tpu.memory_space<hbm>>
      %dma_start3A_44 = tpu.memref_slice %arg4[%mul3A_24] : memref<100000xi32, #tpu.memory_space<hbm>> -> memref<3136xi32, #tpu.memory_space<hbm>>
      %dma_start3A_45 = arith.constant 0 : i32
      %dma_start3A_46 = tpu.memref_slice %arg9[%dma_start3A_45] : memref<6272xi32, #tpu.memory_space<vmem>> -> memref<3136xi32, #tpu.memory_space<vmem>>
      tpu.enqueue_dma source(%dma_start3A_46 : memref<3136xi32, #tpu.memory_space<vmem>>) target(%dma_start3A_44 : memref<3136xi32, #tpu.memory_space<hbm>>) target_semaphore(%arg12 : memref<!tpu.dma_semaphore, #tpu.memory_space<semaphore_mem>>)
      %dma_wait3A_47 = arith.constant 3136 : i32
      %dma_wait3A_48 = tpu.memref_slice %arg9[%dma_wait3A_47] : memref<6272xi32, #tpu.memory_space<vmem>> -> memref<3136xi32, #tpu.memory_space<vmem>>
      %dma_wait3A_49 = arith.constant 3136 : i32
      %dma_wait3A_50 = tpu.memref_slice %arg8[%dma_wait3A_49] : memref<6272xi32, #tpu.memory_space<vmem>> -> memref<3136xi32, #tpu.memory_space<vmem>>
      %dma_wait3A_51 = arith.constant 0 : i32
      %dma_wait3A_52 = tpu.memref_slice %arg7[%dma_wait3A_51] : memref<128xi32, #tpu.memory_space<vmem_shared>> -> memref<128xi32, #tpu.memory_space<vmem_shared>>
      tpu.wait_indirect_dma semaphore(%arg11 : memref<!tpu.dma_semaphore, #tpu.memory_space<semaphore_mem>>) src(%dma_wait3A_52 : memref<128xi32, #tpu.memory_space<vmem_shared>>) dst(%dma_wait3A_48 : memref<3136xi32, #tpu.memory_space<vmem>>)
      %add3A_53 = arith.constant 3136 : i32
      %add3A_54 = arith.addi %mul3A_24, %add3A_53 : i32
      "tpu.region"() ({
        %run_scoped3A = tpu.sem_alloc : memref<!tpu.dma_semaphore, #tpu.memory_space<semaphore_mem>>
        %dma_start3A_61 = arith.constant 3136 : i32
        %dma_start3A_62 = tpu.memref_slice %arg9[%dma_start3A_61] : memref<6272xi32, #tpu.memory_space<vmem>> -> memref<3136xi32, #tpu.memory_space<vmem>>
        %dma_start3A_63 = tpu.memref_slice %arg4[%add3A_54] : memref<100000xi32, #tpu.memory_space<hbm>> -> memref<3136xi32, #tpu.memory_space<hbm>>
        %dma_start3A_64 = tpu.memref_slice %arg4[%add3A_54] : memref<100000xi32, #tpu.memory_space<hbm>> -> memref<3136xi32, #tpu.memory_space<hbm>>
        %dma_start3A_65 = arith.constant 3136 : i32
        %dma_start3A_66 = tpu.memref_slice %arg9[%dma_start3A_65] : memref<6272xi32, #tpu.memory_space<vmem>> -> memref<3136xi32, #tpu.memory_space<vmem>>
        tpu.enqueue_dma source(%dma_start3A_66 : memref<3136xi32, #tpu.memory_space<vmem>>) target(%dma_start3A_64 : memref<3136xi32, #tpu.memory_space<hbm>>) target_semaphore(%run_scoped3A : memref<!tpu.dma_semaphore, #tpu.memory_space<semaphore_mem>>)
        %dma_wait3A_67 = arith.constant 3136 : i32
        %dma_wait3A_68 = tpu.memref_slice %arg9[%dma_wait3A_67] : memref<6272xi32, #tpu.memory_space<vmem>> -> memref<3136xi32, #tpu.memory_space<vmem>>
        %dma_wait3A_69 = tpu.memref_slice %arg4[%add3A_54] : memref<100000xi32, #tpu.memory_space<hbm>> -> memref<3136xi32, #tpu.memory_space<hbm>>
        %dma_wait3A_70 = tpu.memref_slice %arg4[%add3A_54] : memref<100000xi32, #tpu.memory_space<hbm>> -> memref<3136xi32, #tpu.memory_space<hbm>>
        %dma_wait3A_71 = arith.constant 3136 : i32
        %dma_wait3A_72 = tpu.memref_slice %arg9[%dma_wait3A_71] : memref<6272xi32, #tpu.memory_space<vmem>> -> memref<3136xi32, #tpu.memory_space<vmem>>
        tpu.wait_dma2 semaphore(%run_scoped3A : memref<!tpu.dma_semaphore, #tpu.memory_space<semaphore_mem>>) src(%dma_wait3A_72 : memref<3136xi32, #tpu.memory_space<vmem>>) dst(%dma_wait3A_70 : memref<3136xi32, #tpu.memory_space<hbm>>)
        tpu.yield
      }) : () -> ()
      %dma_wait3A_55 = arith.constant 0 : i32
      %dma_wait3A_56 = tpu.memref_slice %arg9[%dma_wait3A_55] : memref<6272xi32, #tpu.memory_space<vmem>> -> memref<3136xi32, #tpu.memory_space<vmem>>
      %dma_wait3A_57 = tpu.memref_slice %arg4[%mul3A_24] : memref<100000xi32, #tpu.memory_space<hbm>> -> memref<3136xi32, #tpu.memory_space<hbm>>
      %dma_wait3A_58 = tpu.memref_slice %arg4[%mul3A_24] : memref<100000xi32, #tpu.memory_space<hbm>> -> memref<3136xi32, #tpu.memory_space<hbm>>
      %dma_wait3A_59 = arith.constant 0 : i32
      %dma_wait3A_60 = tpu.memref_slice %arg9[%dma_wait3A_59] : memref<6272xi32, #tpu.memory_space<vmem>> -> memref<3136xi32, #tpu.memory_space<vmem>>
      tpu.wait_dma2 semaphore(%arg12 : memref<!tpu.dma_semaphore, #tpu.memory_space<semaphore_mem>>) src(%dma_wait3A_60 : memref<3136xi32, #tpu.memory_space<vmem>>) dst(%dma_wait3A_58 : memref<3136xi32, #tpu.memory_space<hbm>>)
    } else {
    }
    %eq3A_18 = arith.constant 15 : i32
    %eq3A_19 = arith.cmpi eq, %add3A, %eq3A_18 : i32
    %convert_element_type3A_20 = arith.extui %eq3A_19 : i1 to i32
    %cond3A_21 = arith.constant 0 : i32
    %cond3A_22 = arith.cmpi ne, %convert_element_type3A_20, %cond3A_21 : i32
    scf.if %cond3A_22 {
      %dma_start3A = arith.constant 0 : i32
      %dma_start3A_23 = tpu.memref_slice %arg9[%dma_start3A] : memref<6272xi32, #tpu.memory_space<vmem>> -> memref<2960xi32, #tpu.memory_space<vmem>>
      %dma_start3A_24 = arith.constant 0 : i32
      %dma_start3A_25 = tpu.memref_slice %arg8[%dma_start3A_24] : memref<6272xi32, #tpu.memory_space<vmem>> -> memref<2960xi32, #tpu.memory_space<vmem>>
      %dma_start3A_26 = arith.constant 0 : i32
      %dma_start3A_27 = tpu.memref_slice %arg7[%dma_start3A_26] : memref<128xi32, #tpu.memory_space<vmem_shared>> -> memref<128xi32, #tpu.memory_space<vmem_shared>>
      tpu.enqueue_indirect_dma source(%dma_start3A_27 : memref<128xi32, #tpu.memory_space<vmem_shared>>) target(%dma_start3A_23 : memref<2960xi32, #tpu.memory_space<vmem>>) offsets(%dma_start3A_25 : memref<2960xi32, #tpu.memory_space<vmem>>) semaphore(%arg10 : memref<!tpu.dma_semaphore, #tpu.memory_space<semaphore_mem>>)
      %dma_start3A_28 = arith.constant 2960 : i32
      %dma_start3A_29 = tpu.memref_slice %arg9[%dma_start3A_28] : memref<6272xi32, #tpu.memory_space<vmem>> -> memref<2960xi32, #tpu.memory_space<vmem>>
      %dma_start3A_30 = arith.constant 2960 : i32
      %dma_start3A_31 = tpu.memref_slice %arg8[%dma_start3A_30] : memref<6272xi32, #tpu.memory_space<vmem>> -> memref<2960xi32, #tpu.memory_space<vmem>>
      %dma_start3A_32 = arith.constant 0 : i32
      %dma_start3A_33 = tpu.memref_slice %arg7[%dma_start3A_32] : memref<128xi32, #tpu.memory_space<vmem_shared>> -> memref<128xi32, #tpu.memory_space<vmem_shared>>
      tpu.enqueue_indirect_dma source(%dma_start3A_33 : memref<128xi32, #tpu.memory_space<vmem_shared>>) target(%dma_start3A_29 : memref<2960xi32, #tpu.memory_space<vmem>>) offsets(%dma_start3A_31 : memref<2960xi32, #tpu.memory_space<vmem>>) semaphore(%arg11 : memref<!tpu.dma_semaphore, #tpu.memory_space<semaphore_mem>>)
      %dma_wait3A = arith.constant 0 : i32
      %dma_wait3A_34 = tpu.memref_slice %arg9[%dma_wait3A] : memref<6272xi32, #tpu.memory_space<vmem>> -> memref<2960xi32, #tpu.memory_space<vmem>>
      %dma_wait3A_35 = arith.constant 0 : i32
      %dma_wait3A_36 = tpu.memref_slice %arg8[%dma_wait3A_35] : memref<6272xi32, #tpu.memory_space<vmem>> -> memref<2960xi32, #tpu.memory_space<vmem>>
      %dma_wait3A_37 = arith.constant 0 : i32
      %dma_wait3A_38 = tpu.memref_slice %arg7[%dma_wait3A_37] : memref<128xi32, #tpu.memory_space<vmem_shared>> -> memref<128xi32, #tpu.memory_space<vmem_shared>>
      tpu.wait_indirect_dma semaphore(%arg10 : memref<!tpu.dma_semaphore, #tpu.memory_space<semaphore_mem>>) src(%dma_wait3A_38 : memref<128xi32, #tpu.memory_space<vmem_shared>>) dst(%dma_wait3A_34 : memref<2960xi32, #tpu.memory_space<vmem>>)
      %dma_start3A_39 = arith.constant 0 : i32
      %dma_start3A_40 = tpu.memref_slice %arg9[%dma_start3A_39] : memref<6272xi32, #tpu.memory_space<vmem>> -> memref<2960xi32, #tpu.memory_space<vmem>>
      %dma_start3A_41 = arith.constant 94080 : i32
      %dma_start3A_42 = tpu.memref_slice %arg4[%dma_start3A_41] : memref<100000xi32, #tpu.memory_space<hbm>> -> memref<2960xi32, #tpu.memory_space<hbm>>
      %dma_start3A_43 = arith.constant 94080 : i32
      %dma_start3A_44 = tpu.memref_slice %arg4[%dma_start3A_43] : memref<100000xi32, #tpu.memory_space<hbm>> -> memref<2960xi32, #tpu.memory_space<hbm>>
      %dma_start3A_45 = arith.constant 0 : i32
      %dma_start3A_46 = tpu.memref_slice %arg9[%dma_start3A_45] : memref<6272xi32, #tpu.memory_space<vmem>> -> memref<2960xi32, #tpu.memory_space<vmem>>
      tpu.enqueue_dma source(%dma_start3A_46 : memref<2960xi32, #tpu.memory_space<vmem>>) target(%dma_start3A_44 : memref<2960xi32, #tpu.memory_space<hbm>>) target_semaphore(%arg12 : memref<!tpu.dma_semaphore, #tpu.memory_space<semaphore_mem>>)
      %dma_wait3A_47 = arith.constant 2960 : i32
      %dma_wait3A_48 = tpu.memref_slice %arg9[%dma_wait3A_47] : memref<6272xi32, #tpu.memory_space<vmem>> -> memref<2960xi32, #tpu.memory_space<vmem>>
      %dma_wait3A_49 = arith.constant 2960 : i32
      %dma_wait3A_50 = tpu.memref_slice %arg8[%dma_wait3A_49] : memref<6272xi32, #tpu.memory_space<vmem>> -> memref<2960xi32, #tpu.memory_space<vmem>>
      %dma_wait3A_51 = arith.constant 0 : i32
      %dma_wait3A_52 = tpu.memref_slice %arg7[%dma_wait3A_51] : memref<128xi32, #tpu.memory_space<vmem_shared>> -> memref<128xi32, #tpu.memory_space<vmem_shared>>
      tpu.wait_indirect_dma semaphore(%arg11 : memref<!tpu.dma_semaphore, #tpu.memory_space<semaphore_mem>>) src(%dma_wait3A_52 : memref<128xi32, #tpu.memory_space<vmem_shared>>) dst(%dma_wait3A_48 : memref<2960xi32, #tpu.memory_space<vmem>>)
      "tpu.region"() ({
        %run_scoped3A = tpu.sem_alloc : memref<!tpu.dma_semaphore, #tpu.memory_space<semaphore_mem>>
        %dma_start3A_61 = arith.constant 2960 : i32
        %dma_start3A_62 = tpu.memref_slice %arg9[%dma_start3A_61] : memref<6272xi32, #tpu.memory_space<vmem>> -> memref<2960xi32, #tpu.memory_space<vmem>>
        %dma_start3A_63 = arith.constant 97040 : i32
        %dma_start3A_64 = tpu.memref_slice %arg4[%dma_start3A_63] : memref<100000xi32, #tpu.memory_space<hbm>> -> memref<2960xi32, #tpu.memory_space<hbm>>
        %dma_start3A_65 = arith.constant 97040 : i32
        %dma_start3A_66 = tpu.memref_slice %arg4[%dma_start3A_65] : memref<100000xi32, #tpu.memory_space<hbm>> -> memref<2960xi32, #tpu.memory_space<hbm>>
        %dma_start3A_67 = arith.constant 2960 : i32
        %dma_start3A_68 = tpu.memref_slice %arg9[%dma_start3A_67] : memref<6272xi32, #tpu.memory_space<vmem>> -> memref<2960xi32, #tpu.memory_space<vmem>>
        tpu.enqueue_dma source(%dma_start3A_68 : memref<2960xi32, #tpu.memory_space<vmem>>) target(%dma_start3A_66 : memref<2960xi32, #tpu.memory_space<hbm>>) target_semaphore(%run_scoped3A : memref<!tpu.dma_semaphore, #tpu.memory_space<semaphore_mem>>)
        %dma_wait3A_69 = arith.constant 2960 : i32
        %dma_wait3A_70 = tpu.memref_slice %arg9[%dma_wait3A_69] : memref<6272xi32, #tpu.memory_space<vmem>> -> memref<2960xi32, #tpu.memory_space<vmem>>
        %dma_wait3A_71 = arith.constant 97040 : i32
        %dma_wait3A_72 = tpu.memref_slice %arg4[%dma_wait3A_71] : memref<100000xi32, #tpu.memory_space<hbm>> -> memref<2960xi32, #tpu.memory_space<hbm>>
        %dma_wait3A_73 = arith.constant 97040 : i32
        %dma_wait3A_74 = tpu.memref_slice %arg4[%dma_wait3A_73] : memref<100000xi32, #tpu.memory_space<hbm>> -> memref<2960xi32, #tpu.memory_space<hbm>>
        %dma_wait3A_75 = arith.constant 2960 : i32
        %dma_wait3A_76 = tpu.memref_slice %arg9[%dma_wait3A_75] : memref<6272xi32, #tpu.memory_space<vmem>> -> memref<2960xi32, #tpu.memory_space<vmem>>
        tpu.wait_dma2 semaphore(%run_scoped3A : memref<!tpu.dma_semaphore, #tpu.memory_space<semaphore_mem>>) src(%dma_wait3A_76 : memref<2960xi32, #tpu.memory_space<vmem>>) dst(%dma_wait3A_74 : memref<2960xi32, #tpu.memory_space<hbm>>)
        tpu.yield
      }) : () -> ()
      %dma_wait3A_53 = arith.constant 0 : i32
      %dma_wait3A_54 = tpu.memref_slice %arg9[%dma_wait3A_53] : memref<6272xi32, #tpu.memory_space<vmem>> -> memref<2960xi32, #tpu.memory_space<vmem>>
      %dma_wait3A_55 = arith.constant 94080 : i32
      %dma_wait3A_56 = tpu.memref_slice %arg4[%dma_wait3A_55] : memref<100000xi32, #tpu.memory_space<hbm>> -> memref<2960xi32, #tpu.memory_space<hbm>>
      %dma_wait3A_57 = arith.constant 94080 : i32
      %dma_wait3A_58 = tpu.memref_slice %arg4[%dma_wait3A_57] : memref<100000xi32, #tpu.memory_space<hbm>> -> memref<2960xi32, #tpu.memory_space<hbm>>
      %dma_wait3A_59 = arith.constant 0 : i32
      %dma_wait3A_60 = tpu.memref_slice %arg9[%dma_wait3A_59] : memref<6272xi32, #tpu.memory_space<vmem>> -> memref<2960xi32, #tpu.memory_space<vmem>>
      tpu.wait_dma2 semaphore(%arg12 : memref<!tpu.dma_semaphore, #tpu.memory_space<semaphore_mem>>) src(%dma_wait3A_60 : memref<2960xi32, #tpu.memory_space<vmem>>) dst(%dma_wait3A_58 : memref<2960xi32, #tpu.memory_space<hbm>>)
    } else {
    }
    return
  }
}

</mosaic_0001>

<sc_bundles>
// kernel: kernel.3.cloned.1.call-start
scs
__scs_entry_jumppad:
0x0: {  	(pc) =	sbr.rel $0x88, $3  }
0x1: {  	(tag) =	ssettag $0x0;
	lr =	simm.s32 $0x1  }
0x2: {  	[smem:$0x3F9F] =	sst lr;
	_ =	strace $0xD0000000  }
0x3: {  	_ = 	snop  }
0x4: {  	_ = 	snop  }
0x5: {  	_ = 	snop  }
0x6: {  	_ = 	snop  }
0x7: {  	_ = 	snop  }
__scs_overlays_trampoline_lowered:
0x8: {  	[smem:$0x3FAE] =	sst s0  }
0x9: {  	[smem:$0x3FAF] =	sst s1  }
0xa: {  	[smem:$0x3FB0] =	sst s2  }
0xb: {  	[smem:$0x3FB1] =	sst s3  }
0xc: {  	[smem:$0x3FB2] =	sst s4  }
0xd: {  	[smem:$0x3FB3] =	sst s5  }
0xe: {  	[smem:$0x3FB4] =	sst s6  }
0xf: {  	[smem:$0x3FB5] =	sst s7  }
0x10: {  	[smem:$0x3FB6] =	sst s8  }
0x11: {  	[smem:$0x3FB7] =	sst s9;
	s0 =	simm.s32 @!p0 $0x0  }
0x12: {  	s1 =	sld [smem:$0x3F9D];
	s0 =	simm.s32 @p0 $0x1  }
0x13: {  	[smem:$0x3FB8] =	sst s0;
	s0 =	simm.s32 @!p1 $0x0  }
0x14: {  	s2 =	sld [smem:$0x3F9C];
	s0 =	simm.s32 @p1 $0x1  }
0x15: {  	[smem:$0x3FB9] =	sst s0;
	s0 =	simm.s32 @!p2 $0x0  }
0x16: {  	s3 =	sld [smem:$0x3FDB];
	s0 =	simm.s32 @p2 $0x1  }
0x17: {  	s4 =	simm.s32 $0x1BF5;
	[smem:$0x3FBB] =	sst s0  }
0x18: {  	s0 =	sld [smem:$0x3F9E];
	_ =	swait.ge [sflag:s4], $0x0  }
0x19: {  	s7 =	sld [smem:$0x3F9F]  }
0x1a: {  	s8 =	sadd.s32 $0xFFFFE003, lr  }
0x1b: {  	s9 =	sadd.s32 $0xFFFFFEF7, lr;
	s5 =	simm.s32 $0xFFFFFFFF;
	p2 =	slt.u32 s8, $0xFFFFF086  }
0x1c: {  	p1 =	slt.u32 s9, $0xF7A;
	s5 =	simm.s32 @!p2 $0x0  }
0x1d: {  	s5 =	simm.s32 @p1 $0x1;
	p0 =	seq.s32 s7, s2  }
0x1e: {  	s7 =	smul.u32 @!p0 $0xF7A, s2;
	p2 =	seq.s32 @!p0 s5, $0x0  }
0x1f: {  	s9 =	smul.u32 $0xF7A, s1;
	s8 =	simm.s32 @!p0 $0x1BF5;
	p2 =	por !p2, p0  }
0x20: {  	[sflag:s8] =	ssyncset.s32 @!p0 $0xFFFFF086;
	s6 =	sadd.s32 @!p0 s3, s7;
	s7 =	simm.s32 @!p0 $0x108  }
0x21: {  	s3 =	sadd.s32 s3, s9;
	s6 =	sadd.s32 @!p0 $0x88, s6;
	s7 =	simm.s32 @p2 $0x1082  }
0x22: {  	[simem:s7], [sflag:s8] =	dma.local @!p0 [hbm:s6], $0xF7A  }
0x23: {  	s9 =	sor.u32 $0xD0000000, s2;
	s6 =	simm.s32 $0x108;
	_ =	swait.ge @!p0 [sflag:s8], $0x0  }
0x24: {  	s3 =	sadd.s32 $0x88, s3;
	s6 =	simm.s32 @!p1 $0x1082;
	[sflag:s4] =	ssyncset.s32 $0xFFFFF086  }
0x25: {  	[simem:s6], [sflag:s4] =	dma.local [hbm:s3], $0xF7A  }
0x26: {  	[smem:$0x3F9F] =	sst s1;
	(tag) =	ssettag s2;
	_ =	strace s9  }
0x27: {  	s1 =	sld [smem:$0x3FAF]  }
0x28: {  	s2 =	sld [smem:$0x3FB0]  }
0x29: {  	s4 =	sld [smem:$0x3FB2]  }
0x2a: {  	p0 =	seq.s32 s5, $0x0;
	s5 =	sld [smem:$0x3FB3]  }
0x2b: {  	s6 =	sld [smem:$0x3FB4]  }
0x2c: {  	s7 =	sld [smem:$0x3FB5]  }
0x2d: {  	s3 =	simm.s32 $0x108;
	s8 =	sld [smem:$0x3FB6]  }
0x2e: {  	s3 =	simm.s32 @!p0 $0x1082;
	s9 =	sld [smem:$0x3FB7]  }
0x2f: {  	lr =	sadd.s32 s0, s3;
	s0 =	sld [smem:$0x3FAE]  }
0x30: {  	s3 =	sld [smem:$0x3FB1]  }
0x31: {  	[smem:$0x3FBA] =	sst s10  }
0x32: {  	s10 =	sld [smem:$0x3FB8];
	_ =	sdelay $0x3  }
0x33: {  	p0 =	seq.s32 s10, $0x1;
	s10 =	sld [smem:$0x3FBA];
	_ =	sdelay $0x3  }
0x34: {  	[smem:$0x3FBA] =	sst s10  }
0x35: {  	s10 =	sld [smem:$0x3FB9];
	_ =	sdelay $0x3  }
0x36: {  	p1 =	seq.s32 s10, $0x1;
	s10 =	sld [smem:$0x3FBA];
	_ =	sdelay $0x3  }
0x37: {  	[smem:$0x3FBA] =	sst s10  }
0x38: {  	s10 =	sld [smem:$0x3FBB]  }
0x39: {  	_ = 	snop;
	(pc) =	sbr.ind lr, $3  }
0x3a: {  	_ = 	snop  }
0x3b: {  	_ = 	snop  }
0x3c: {  	p2 =	seq.s32 s10, $0x1;
	s10 =	sld [smem:$0x3FBA]  }
0x3d: {  	_ =	shalt  }
0x3e: {  	_ =	shalt  }
0x3f: {  	_ =	shalt  }
0x40: {  	_ =	shalt  }
0x41: {  	_ =	shalt  }
0x42: {  	_ =	shalt  }
0x43: {  	_ =	shalt  }
0x44: {  	_ =	shalt  }
0x45: {  	_ =	shalt  }
0x46: {  	_ =	shalt  }
0x47: {  	_ =	shalt  }
0x48: {  	_ =	shalt  }
0x49: {  	_ =	shalt  }
0x4a: {  	_ =	shalt  }
0x4b: {  	_ =	shalt  }
0x4c: {  	_ =	shalt  }
0x4d: {  	_ =	shalt  }
0x4e: {  	_ =	shalt  }
0x4f: {  	_ =	shalt  }
0x50: {  	_ =	shalt  }
0x51: {  	_ =	shalt  }
0x52: {  	_ =	shalt  }
0x53: {  	_ =	shalt  }
0x54: {  	_ =	shalt  }
0x55: {  	_ =	shalt  }
0x56: {  	_ =	shalt  }
0x57: {  	_ =	shalt  }
0x58: {  	_ =	shalt  }
0x59: {  	_ =	shalt  }
0x5a: {  	_ =	shalt  }
0x5b: {  	_ =	shalt  }
0x5c: {  	_ =	shalt  }
0x5d: {  	_ =	shalt  }
0x5e: {  	_ =	shalt  }
0x5f: {  	_ =	shalt  }
0x60: {  	_ =	shalt  }
0x61: {  	_ =	shalt  }
0x62: {  	_ =	shalt  }
0x63: {  	_ =	shalt  }
0x64: {  	_ =	shalt  }
0x65: {  	_ =	shalt  }
0x66: {  	_ =	shalt  }
0x67: {  	_ =	shalt  }
0x68: {  	_ =	shalt  }
0x69: {  	_ =	shalt  }
0x6a: {  	_ =	shalt  }
0x6b: {  	_ =	shalt  }
0x6c: {  	_ =	shalt  }
0x6d: {  	_ =	shalt  }
0x6e: {  	_ =	shalt  }
0x6f: {  	_ =	shalt  }
0x70: {  	_ =	shalt  }
0x71: {  	_ =	shalt  }
0x72: {  	_ =	shalt  }
0x73: {  	_ =	shalt  }
0x74: {  	_ =	shalt  }
0x75: {  	_ =	shalt  }
0x76: {  	_ =	shalt  }
0x77: {  	_ =	shalt  }
0x78: {  	_ =	shalt  }
0x79: {  	_ =	shalt  }
0x7a: {  	_ =	shalt  }
0x7b: {  	_ =	shalt  }
0x7c: {  	_ =	shalt  }
0x7d: {  	_ =	shalt  }
0x7e: {  	_ =	shalt  }
0x7f: {  	_ =	shalt  }
0x80: {  	_ =	shalt  }
0x81: {  	_ =	shalt  }
0x82: {  	_ =	shalt  }
0x83: {  	_ =	shalt  }
0x84: {  	_ =	shalt  }
0x85: {  	_ =	shalt  }
0x86: {  	_ =	shalt  }
0x87: {  	_ =	shalt  }
.Lfunc_end0:
.L_simem_size_0:
called_computation_lowered:
.L_overlay_start_0:
0x88: {  	s0 =	sld [smem:$0x3FD9]  }
0x89: {  	s1 =	sld [smem:$0x3FFE];
	_ =	sdelay $0x3  }
0x8a: {  	s0 =	sadd.s32 s1, s0  }
0x8b: {  	[smem:$0x3FC6] =	sst s0  }
0x8c: {  	_ = 	snop  }
0x8d: {  	s0 =	sld [smem:$0x3FC9]  }
0x8e: {  	s17 =	sld [smem:$0x3FC8]  }
0x8f: {  	s2 =	sld [smem:$0x3FD0];
	(tm) =	ssettm $0x1  }
0x90: {  	s3 =	sld [smem:$0x3FFB];
	_ =	sdelay $0x3  }
0x91: {  	_ =	strace s3  }
0x92: {  	s3 =	sld [smem:$0x3FFC];
	_ =	sdelay $0x3  }
0x93: {  	_ =	strace s3  }
0x94: {  	s3 =	sld [smem:$0x3FFD];
	_ =	sdelay $0x3  }
0x95: {  	_ =	strace s3  }
0x96: {  	_ =	strace $0x8FFFFFFF  }
0x97: {  	s18 =	sld [smem:$0x3FDB];
	_ =	sdelay $0x1  }
0x98: {  	s4 =	simm.s32 $_scs_section_size  }
0x99: {  	s5 =	simm.s32 $_size__tile_overlayer_lowered;
	s6 =	simm.s32 $_tile_overlayer_lowered  }
0x9a: {  	s21 =	simm.s32 $0x1BFF;
	s20 =	sshll.u32 s6, $0x1;
	s3 =	sadd.s32 s4, s18  }
0x9b: {  	s7 =	simm.s32 $0x0;
	s19 =	sshll.u32 s5, $0x1;
	s5 =	sadd.s32 s20, s3  }
0x9c: {  	[timem:s7], [sflag:s21] =	dma.local [hbm:s5], s19  }
0x9d: {  	_ =	swait.ge [sflag:s21], s19  }
0x9e: {  	s4 =	ssub.s32 $0x0, s19;
	[sflag:s21] =	ssyncset.done $0x0  }
0x9f: {  	[sflag:s21] =	ssyncadd.s32 s4;
	_ =	sdelay $0x1  }
0xa0: {  	s22 =	simm.s32 $0x1B8B  }
0xa1: {  	_ =	swait.ge [sflag:s22], $0x1  }
0xa2: {  	[sflag:s22] =	ssyncset.done $0x0  }
0xa3: {  	s23 =	simm.s32 $0x1B8E;
	[sflag:s22] =	ssyncadd.s32 $0xFFFFFFFF  }
0xa4: {  	s24 =	simm.s32 $execute0_lowered;
	[smem:$0x3FD2] =	sst s23  }
0xa5: {  	s4 =	sshll.u32 s24, $0x1;
	_ =	strace $0x80000046;
	[dreg:$0x1] =	wrdreg $0xFFFFFFFF  }
0xa6: {  	s25 =	simm.s32 $_size_execute0_lowered;
	s3 =	sadd.s32 s3, s4;
	[dreg:$0x0] =	wrdreg $0x0  }
0xa7: {  	s4 =	sshll.u32 s25, $0x1;
	[dreg:$0x2] =	wrdreg s3  }
0xa8: {  	[dreg:$0x3] =	wrdreg s4  }
0xa9: {  	[dreg:$0x4] =	wrdreg $0xC0  }
0xaa: {  	_ =	task [dreg:s7], $0x5FFFF  }
0xab: {  	[dreg:$0x1] =	wrdreg $0xFFFFFFFF  }
0xac: {  	[dreg:$0x0] =	wrdreg $0x60  }
0xad: {  	[dreg:$0x2] =	wrdreg s0  }
0xae: {  	[dreg:$0x3] =	wrdreg s17  }
0xaf: {  	[dreg:$0x4] =	wrdreg s2  }
0xb0: {  	[dreg:$0x5] =	wrdreg $0x1000  }
0xb1: {  	[dreg:$0x6] =	wrdreg $0x9  }
0xb2: {  	_ =	task.clear_ibuf [dreg:s7], $0x7FFFF;
	_ =	strace $0x90000046  }
0xb3: {  	s26 =	simm.s32 $0x9;
	_ =	strace $0x80000048  }
0xb4: {  	_ =	swait.ge [sflag:s26], $0x1  }
0xb5: {  	[sflag:s26] =	ssyncadd.s32 $0xFFFFFFFF  }
0xb6: {  	_ =	strace $0x90000048  }
0xb7: {  	_ =	sfence  }
0xb8: {  	s28 =	sld [smem:$0x0];
	_ =	sdelay $0x1  }
0xb9: {  	s29 =	srdreg.scid  }
0xba: {  	s30 =	sshll.u32 s29, $0xD;
	s31 =	sshrl.u32 s29, $0x2  }
0xbb: {  	s1 =	sand.u32 $0x1, s29;
	s2 =	sand.u32 $0x4000, s30;
	s0 =	sadd.s32 s31, s28  }
0xbc: {  	s1 =	sor.u32 s2, s1;
	s0 =	sshll.u32 s0, $0x11  }
0xbd: {  	s0 =	sor.u32 s0, s1  }
0xbe: {  	s0 =	sadd.s32 $0x8F2B, s0  }
0xbf: {  	[sflag:s0] =	ssyncadd.remote.s32 $0x1  }
0xc0: {  	_ =	sfence.sel $0xFFFF  }
0xc1: {  	[dreg:$0x0] =	wrdreg $0xFFFFFFFF;
	(pc) =	sbr.abs _section_cstart, $3  }
0xc2: {  	[dreg:$0x1] =	wrdreg $0xFFFFFFFF  }
0xc3: {  	_ =	task.clear_ibuf [dreg:s7], $0x2FFFF;
	_ =	strace $0x9FFFFFFF  }
0xc4: {  	(tm) =	ssettm $0x7FFFFFFF  }
0xc5: {  	_ =	shalt  }
tec
execute0_lowered:
.L_overlay_start_1:
0x0: {  	(tag) =	ssettag $0x1  }
0x1: {  	s1 =	stileid.u32  }
0x2: {  	s5 =	rddreg [dreg:$0x0];
	p0 =	seq.s32 s1, $0x0  }
.Ltmp0:
0x3: {  	s6 =	rddreg [dreg:$0x1];
	(pc) =	sbr.rel @p0 .LBB2_4-.Ltmp0, $4  }
0x4: {  	s2 =	rddreg [dreg:$0x2]  }
0x5: {  	s3 =	rddreg [dreg:$0x3];
	s4 =	simm.s32 $0x0  }
0x6: {  	[smem:$0x7FF] =	sst s4  }
0x7: {  	s0 =	rddreg [dreg:$0x4];
	_ =	strace $0x80000047  }
0x8: {  	p0 =	seq.s32 s1, $0xF  }
.Ltmp1:
0x9: {  	_ = 	snop;
	(pc) =	sbr.rel @!p0 .LBB2_2-.Ltmp1, $1  }
0xa: {  	_ =	sdelay $0x3  }
0xb: {  	s4 =	sadd.s32 $0x2DF0, s5  }
0xc: {  	s23 =	simm.s32 $0x0;
	s6 =	simm.s32 $0x108;
	s24 =	simm.s32 $0x4  }
0xd: {  	[tilespmem:s6], [sflag:$0x4] =	stream.linear.gather [hbm4b:s4+s23], $0x1720, $0x38;
	[tilespmem:$0x3208] =	vst v63  }
0xe: {  	_ =	swait.ge [sflag:s24], $0x1720  }
0xf: {  	[sflag:s24] =	ssyncset.done $0x0  }
0x10: {  	[sflag:s24] =	ssyncadd.s32 $0xFFFFE8E0  }
0x11: {  	s7 =	simm.s32 $0xB90;
	s8 =	simm.s32 $0x1988;
	[bflag:$0x0] =	sbarrier.arrive $0xFFFF  }
0x12: {  	[tilespmem:s8], [sflag:$0x1] =	stream.indirect.gather [spmem:s3], $0x1, s6, s7, $0xb8;
	[tilespmem:$0x3208] =	vst v63  }
0x13: {  	s25 =	simm.s32 $0xC98;
	s9 =	simm.s32 $0x2518;
	s26 =	simm.s32 $0x1  }
0x14: {  	[tilespmem:s9], [sflag:$0x2] =	stream.indirect.gather [spmem:s3], $0x1, s25, s7, $0xb8;
	[tilespmem:$0x3208] =	vst v63  }
0x15: {  	_ =	swait.ge [sflag:s26], $0xB90  }
0x16: {  	[sflag:s26] =	ssyncset.done $0x0  }
0x17: {  	s28 =	sadd.s32 $0x2DF0, s2;
	s29 =	simm.s32 $0x2;
	[sflag:s26] =	ssyncadd.s32 $0xFFFFF470  }
0x18: {  	[hbm4b:s28+s23] =	stream.linear.scatter [tilespmem:s8], [sflag:$0x3], $0xB90, $0x38;
	[tilespmem:$0x3208] =	vst v63  }
0x19: {  	_ =	swait.ge [sflag:s29], $0xB90  }
0x1a: {  	[sflag:s29] =	ssyncset.done $0x0  }
0x1b: {  	s30 =	sadd.s32 $0x2F62, s2;
	[sflag:s29] =	ssyncadd.s32 $0xFFFFF470  }
0x1c: {  	[hbm4b:s30+s23] =	stream.linear.scatter [tilespmem:s9], [sflag:$0x4], $0xB90, $0x38;
	[tilespmem:$0x3208] =	vst v63  }
0x1d: {  	_ =	swait.ge [sflag:s24], $0xB90  }
.Ltmp2:
0x1e: {  	[sflag:s24] =	ssyncset.done $0x0;
	(pc) =	sbr.rel .LBB2_6-.Ltmp2, $4  }
0x1f: {  	s31 =	simm.s32 $0x3;
	[sflag:s24] =	ssyncadd.s32 $0xFFFFF470  }
0x20: {  	_ =	swait.ge [sflag:s31], $0xB90  }
0x21: {  	[sflag:s31] =	ssyncset.done $0x0  }
0x22: {  	[sflag:s31] =	ssyncadd.s32 $0xFFFFF470  }
.LBB2_4:
0x23: {  	s7 =	simm.s32 $0x108  }
0x24: {  	[tilespmem:s7], [sflag:$0x1] =	stream.linear.gather [hbm4b:s5+s4], $0x1880, $0x38;
	[tilespmem:$0x3208] =	vst v63  }
0x25: {  	s30 =	simm.s32 $0x4  }
0x26: {  	[tilespmem:s4], [sflag:$0x4] =	stream.linear.gather [hbm4b:s6+s4], $0x77, $0x38;
	[tilespmem:$0x3208] =	vst v63  }
0x27: {  	_ =	swait.ge [sflag:s30], $0x77  }
0x28: {  	[sflag:s30] =	ssyncset.done $0x0  }
0x29: {  	v57 =	vlaneseq.u32;
	[sflag:s30] =	ssyncadd.s32 $0xFFFFFF89  }
0x2a: {  	v58 =	vor.u32 $0x10, v57;
	[tilespmem:$0x80] =	vst v57  }
0x2b: {  	v1 =	vimm.s32 $0x777A7978;
	v59 =	vor.u32 $0x20, v57;
	v0 =	vld [tilespmem:$0x70];
	[tilespmem:$0x90] =	vst v58  }
0x2c: {  	v2 =	vimm.s32 $0x7B7E7D7C;
	v1 =	vunpack.c.0.s8.s32 v1;
	v60 =	vor.u32 $0x30, v57;
	[tilespmem:$0xA0] =	vst v59  }
0x2d: {  	vm0 =	vcmask $0x2B00;
	v2 =	vunpack.c.0.s8.s32 v2;
	v61 =	vor.u32 $0x40, v57;
	[tilespmem:$0xB0] =	vst v60  }
0x2e: {  	vm14 =	vcmask $0x3B2C;
	v62 =	vor.u32 $0x50, v57;
	v1 =	vnsel vm0, $0x7F, v1;
	[tilespmem:$0xC0] =	vst v61  }
0x2f: {  	vm15 =	vmmov $0x7f;
	v63 =	vor.u32 $0x60, v57;
	v1 =	vsel vm14, v2, v1;
	[tilespmem:$0xD0] =	vst v62  }
0x30: {  	[tilespmem:$0xE0] =	vst v63;
	v0 =	vsel vm15, v0, v1  }
0x31: {  	[tilespmem:$0x70] =	vst v0;
	v0 =	vor.u32 $0x70, v57  }
.Ltmp3:
0x32: {  	s31 =	simm.s32 $0x80;
	[tilespmem:$0xF0] =	vst v0;
	(pc) =	sbr.rel .LBB2_5-.Ltmp3, $4  }
0x33: {  	[spmem:s3] =	stream.indirect.scatter [tilespmem:s31], [sflag:$0x4], $0x1, s4, s31, $0xb8;
	[tilespmem:$0x3208] =	vst v63  }
0x34: {  	_ =	swait.ge [sflag:s30], $0x80  }
0x35: {  	[sflag:s30] =	ssyncset.done $0x0  }
0x36: {  	s4 =	simm.s32 $0x1;
	[sflag:s30] =	ssyncadd.s32 $0xFFFFFF80  }
.LBB2_2:
0x37: {  	s4 =	smul.u32 $0x310, s1;
	_ =	sdelay $0x1  }
0x38: {  	s31 =	simm.s32 $0x0;
	s6 =	simm.s32 $0x108;
	s4 =	sadd.s32 s5, s4  }
0x39: {  	[tilespmem:s6], [sflag:$0x4] =	stream.linear.gather [hbm4b:s4+s31], $0x1880, $0x38;
	[tilespmem:$0x3208] =	vst v63  }
0x3a: {  	s4 =	simm.s32 $0x4  }
.LBB2_5:
0x3b: {  	_ =	swait.ge [sflag:s4], $0x1880  }
0x3c: {  	[sflag:s4] =	ssyncset.done $0x0  }
0x3d: {  	s23 =	simm.s32 $0xC40;
	s5 =	simm.s32 $0x108;
	[sflag:s4] =	ssyncadd.s32 $0xFFFFE780  }
0x3e: {  	s6 =	simm.s32 $0x1988;
	s24 =	simm.s32 $0xD48;
	[bflag:$0x0] =	sbarrier.arrive $0xFFFF  }
0x3f: {  	[tilespmem:s6], [sflag:$0x1] =	stream.indirect.gather [spmem:s3], $0x1, s5, s23, $0xb8;
	[tilespmem:$0x3208] =	vst v63  }
0x40: {  	s7 =	simm.s32 $0x25C8;
	s25 =	smul.u32 $0x1880, s1;
	s26 =	simm.s32 $0x1  }
0x41: {  	[tilespmem:s7], [sflag:$0x2] =	stream.indirect.gather [spmem:s3], $0x1, s24, s23, $0xb8;
	[tilespmem:$0x3208] =	vst v63  }
0x42: {  	_ =	swait.ge [sflag:s26], $0xC40  }
0x43: {  	s28 =	simm.s32 $0x0;
	s3 =	sshrl.u32 s25, $0x3;
	[sflag:s26] =	ssyncset.done $0x0  }
0x44: {  	s29 =	simm.s32 $0x2;
	s2 =	sadd.s32 s2, s3;
	[sflag:s26] =	ssyncadd.s32 $0xFFFFF3C0  }
0x45: {  	[hbm4b:s2+s28] =	stream.linear.scatter [tilespmem:s6], [sflag:$0x3], $0xC40, $0x38;
	[tilespmem:$0x3208] =	vst v63  }
0x46: {  	_ =	swait.ge [sflag:s29], $0xC40  }
0x47: {  	[sflag:s29] =	ssyncset.done $0x0  }
0x48: {  	s30 =	simm.s32 $0x4;
	s2 =	sadd.s32 $0x188, s2;
	[sflag:s29] =	ssyncadd.s32 $0xFFFFF3C0  }
0x49: {  	[hbm4b:s2+s28] =	stream.linear.scatter [tilespmem:s7], [sflag:$0x4], $0xC40, $0x38;
	[tilespmem:$0x3208] =	vst v63  }
0x4a: {  	_ =	swait.ge [sflag:s30], $0xC40  }
0x4b: {  	[sflag:s30] =	ssyncset.done $0x0  }
0x4c: {  	s31 =	simm.s32 $0x3;
	[sflag:s30] =	ssyncadd.s32 $0xFFFFF3C0  }
0x4d: {  	_ =	swait.ge [sflag:s31], $0xC40  }
0x4e: {  	[sflag:s31] =	ssyncset.done $0x0  }
0x4f: {  	[sflag:s31] =	ssyncadd.s32 $0xFFFFF3C0  }
.LBB2_6:
0x50: {  	_ =	sfence.sel $0x180000  }
0x51: {  	[bflag:$0x0] =	sbarrier.arrive $0xFFFF  }
0x52: {  	p0 =	sne.s32 s1, $0x0;
	_ =	strace $0x90000047  }
0x53: {  	s0 =	sadd.s32 @!p0 $0x100000, s0;
	[bflag:$0x2] =	sbarrier.arrive $0xFFFF  }
0x54: {  	[sflag:s0] =	ssyncadd.tile.s32 @!p0 $0x1;
	_ =	shalt  }
.Lfunc_end2:
_tile_overlayer_lowered:
.L_overlay_start_2:
0x55: {  	(tag) =	ssettag $0x2  }
0x56: {  	s0 =	rddreg [dreg:$0x0];
	s2 =	stileid.u32  }
0x57: {  	s1 =	rddreg [dreg:$0x1];
	p0 =	sne.s32 s2, $0x0  }
0x58: {  	s3 =	rddreg [dreg:$0x2];
	[bflag:$0x3] =	sbarrier.arrive $0xFFFF;
	s2 =	simm.s32 @!p0 $0x1C04  }
0x59: {  	[timem:s3], [sflag:s2] =	dma.local @!p0 [hbm:s0], s1  }
0x5a: {  	s0 =	simm.s32 @!p0 $0x4  }
0x5b: {  	_ =	swait.ge @!p0 [sflag:s0], s1  }
0x5c: {  	s1 =	ssub.s32 @!p0 $0x0, s1;
	[sflag:s0] =	ssyncset.done @!p0 $0x0  }
0x5d: {  	[sflag:s0] =	ssyncadd.s32 @!p0 s1  }
0x5e: {  	[bflag:$0x3] =	sbarrier.arrive $0xFFFF  }
0x5f: {  	_ =	shalt  }

</sc_bundles>
